<compile_context>
chip_gen: v7x
topology: tpu7x:2x2x1
jax: 0.10.2.dev20260603
libtpu: 0.0.44.dev20260713+nightly
codegen_flags: <defaults>
</compile_context>

<pallas_src>
import functools
import jax
import jax.numpy as jnp
from jax import lax
from jax.experimental import pallas as pl
from jax.experimental.pallas import tpu as pltpu

_C = 768
_CH = 384
_KO = 128
_HW = 4096
_GAP_THR = 1e-8


def _mean_tree(x):
    v = (x[:, 0:1024] + x[:, 1024:2048]) + (x[:, 2048:3072] + x[:, 3072:4096])
    s = [v[:, 128 * j:128 * j + 128] for j in range(8)]
    t = ((s[0] + s[4]) + (s[1] + s[5])) + ((s[2] + s[6]) + (s[3] + s[7]))
    return jnp.sum(t, axis=1) * (1.0 / 4096.0)


def _mean_guard_body(x1_ref, x2_ref, pidx_ref, gmin_ref):
    v = jnp.concatenate([_mean_tree(x1_ref[0]), _mean_tree(x2_ref[0])])
    vj = v[:, None]
    vc = v[None, :]
    ij = lax.broadcasted_iota(jnp.int32, (_C, _C), 0)
    ic = lax.broadcasted_iota(jnp.int32, (_C, _C), 1)
    beats = (vj > vc) | ((vj == vc) & (ij < ic))
    rank = jnp.sum(beats.astype(jnp.int32), axis=0)
    pr = lax.broadcasted_iota(jnp.int32, (_C, _C), 0)
    onehot = (rank[None, :] == pr).astype(jnp.float32)
    cf = ic.astype(jnp.float32)
    pidx_ref[0, 0, :] = jnp.sum(onehot * cf, axis=1).astype(jnp.int32)
    sortedv = jnp.sum(onehot * v[None, :], axis=1)
    gmin = jnp.min(sortedv[:-1] - sortedv[1:])
    gmin_ref[0, 0, :] = jnp.full((128,), gmin, jnp.float32)


def _route_body(pidx_ref, w_ref, x1_ref, x2_ref, out_ref, m_ref):
    j = pl.program_id(1)

    @pl.when(j == 0)
    def _build_m():
        pidx = pidx_ref[0, 0, :]
        ic = lax.broadcasted_iota(jnp.int32, (_CH, _C), 1)
        top = (pidx[:_CH, None] == ic).astype(jnp.float32)
        sel = (pidx[_CH:, None] == ic).astype(jnp.float32)
        m_ref[:_CH, :] = top
        m_ref[_CH:, :] = jnp.dot(w_ref[...], sel,
                                 preferred_element_type=jnp.float32)

    m = m_ref[...]
    out_ref[0, :, :] = (
        jnp.dot(m[:, :_CH], x1_ref[0], preferred_element_type=jnp.float32)
        + jnp.dot(m[:, _CH:], x2_ref[0], preferred_element_type=jnp.float32)
    )


def kernel(x1, x2, W):
    b = x1.shape[0]
    x1f = x1.reshape(b, _CH, _HW)
    x2f = x2.reshape(b, _CH, _HW)

    pidx_fast, gmin = pl.pallas_call(
        _mean_guard_body,
        grid=(b,),
        in_specs=[
            pl.BlockSpec((1, _CH, _HW), lambda i: (i, 0, 0)),
            pl.BlockSpec((1, _CH, _HW), lambda i: (i, 0, 0)),
        ],
        out_specs=[
            pl.BlockSpec((1, 1, _C), lambda i: (i, 0, 0)),
            pl.BlockSpec((1, 1, 128), lambda i: (i, 0, 0)),
        ],
        out_shape=[
            jax.ShapeDtypeStruct((b, 1, _C), jnp.int32),
            jax.ShapeDtypeStruct((b, 1, 128), jnp.float32),
        ],
        compiler_params=pltpu.CompilerParams(
            dimension_semantics=("parallel",)),
    )(x1f, x2f)
    safe = jnp.all(gmin[:, 0, 0] > _GAP_THR)

    def _fast(ops):
        return ops[0]

    def _slow(ops):
        _, xx1, xx2 = ops
        x = jnp.concatenate([xx1, xx2], axis=1)
        pooled = jnp.mean(x, axis=(2, 3))
        _, pidx = lax.top_k(pooled, _C)
        xs = jnp.take_along_axis(x, pidx[:, :, None, None], axis=1)
        pidx_b, xs_b = lax.optimization_barrier((pidx, xs))
        marker = (xs_b[:, :, 0, 0] * 0.0).astype(jnp.int32)
        return (pidx_b + marker)[:, None, :]

    pidx = lax.cond(safe, _fast, _slow, (pidx_fast, x1, x2))

    hwblk = 2048
    out = pl.pallas_call(
        _route_body,
        grid=(b, _HW // hwblk),
        in_specs=[
            pl.BlockSpec((1, 1, _C), lambda i, j: (i, 0, 0)),
            pl.BlockSpec((_KO, _CH), lambda i, j: (0, 0)),
            pl.BlockSpec((1, _CH, hwblk), lambda i, j: (i, 0, j)),
            pl.BlockSpec((1, _CH, hwblk), lambda i, j: (i, 0, j)),
        ],
        out_specs=pl.BlockSpec((1, _CH + _KO, hwblk), lambda i, j: (i, 0, j)),
        out_shape=jax.ShapeDtypeStruct((b, _CH + _KO, _HW), jnp.float32),
        scratch_shapes=[pltpu.VMEM((_CH + _KO, _C), jnp.float32)],
        compiler_params=pltpu.CompilerParams(
            dimension_semantics=("parallel", "arbitrary")),
    )(pidx, W, x1f, x2f)

    return out.reshape(b, _CH + _KO, 64, 64)

# --- scband reference (transcript-rebuilt; emitter-appended) ---
"""Pipeline reference for scband-concat6-52226802320149 (READ-ONLY COPY).

The authoritative reference and input builder live on the scoring server;
editing this copy changes nothing except your own understanding.
"""

import jax, jax.numpy as jnp
import numpy as np

C1 = 768
C2 = 512
K = C2 // 4 * 3        # 384
K1 = C2 - K            # 128


def setup_inputs(seed: int = 0) -> dict:
    key = jax.random.key(seed)
    k1, k2, k3 = jax.random.split(key, 3)
    x1 = jax.random.normal(k1, (8, 384, 64, 64), dtype=jnp.float32)
    x2 = jax.random.normal(k2, (8, 384, 64, 64), dtype=jnp.float32)
    # conv1: nn.Conv2d(c1 - k, k1, 1, 1, bias=False) -> weight [K1, C1-K, 1, 1];
    # 1x1 conv stored here as a [K1, C1-K] matrix.
    W = jax.random.normal(k3, (K1, C1 - K), dtype=jnp.float32) * 0.05
    return {"x1": x1, "x2": x2, "W": W}


def reference(x1, x2, W):
    # x = torch.cat(x, dim=1)
    x = jnp.concatenate([x1, x2], axis=1)
    b, c, h, w = x.shape
    # AdaptiveAvgPool2d((1,1)).squeeze -> per-channel spatial mean
    pooled = jnp.mean(x, axis=(2, 3))                      # [B, C]
    # torch.topk(pooled, num_channels, dim=1): full descending sort of channels
    pooled_values, pooled_indices = jax.lax.top_k(pooled, c)   # [B, C]
    # gather channels per batch (equivalent of flat-index gather in torch code)
    x = jnp.take_along_axis(x, pooled_indices[:, :, None, None], axis=1)
    y = x[:, K:, :, :]                                     # [B, C1-K, H, W]
    xh = x[:, :K, :, :]                                    # [B, K, H, W]
    # 1x1 conv, no bias
    y = jnp.einsum('bchw,oc->bohw', y, W)                  # [B, K1, H, W]
    out = jnp.concatenate([xh, y], axis=1)                 # [B, C2, H, W]
    return out

if __name__ == "__main__":
    import jax
    _d = setup_inputs()
    print(jax.jit(kernel)(*tuple(_d.values())))

</pallas_src>

<mosaic_0001>
module attributes {stable_mosaic.version = 14 : i64} {
  func.func @_mean_guard_body(%arg0: i32, %arg1: memref<1x384x4096xf32, #tpu.memory_space<vmem>>, %arg2: memref<1x384x4096xf32, #tpu.memory_space<vmem>>, %arg3: memref<1x1x768xi32, #tpu.memory_space<vmem>>, %arg4: memref<1x1x128xf32, #tpu.memory_space<vmem>>) attributes {dimension_semantics = [#tpu.dimension_semantics<parallel>], iteration_bounds = array<i64: 8>, scalar_prefetch = 0 : i64, scratch_operands = 0 : i64, tpu.core_type = #tpu.core_type<tc>, window_params = [{transform_indices = @transform_0, window_bounds = array<i64: 1, 384, 4096>}, {transform_indices = @transform_1, window_bounds = array<i64: 1, 384, 4096>}, {transform_indices = @transform_2, window_bounds = array<i64: 1, 1, 768>}, {transform_indices = @transform_3, window_bounds = array<i64: 1, 1, 128>}]} {
    %get3A = arith.constant 0 : index
    %get3A_0 = arith.constant 0 : index
    %get3A_1 = arith.constant 0 : index
    %get3A_2 = vector.load %arg1[%get3A, %get3A_0, %get3A_1] : memref<1x384x4096xf32, #tpu.memory_space<vmem>>, vector<1x384x4096xf32>
    %get3A_3 = vector.shape_cast %get3A_2 : vector<1x384x4096xf32> to vector<384x4096xf32>
    %slice3A = vector.extract_strided_slice %get3A_3 {offsets = [0, 0], sizes = [384, 1024], strides = [1, 1]} : vector<384x4096xf32> to vector<384x1024xf32>
    %slice3A_4 = vector.extract_strided_slice %get3A_3 {offsets = [0, 1024], sizes = [384, 1024], strides = [1, 1]} : vector<384x4096xf32> to vector<384x1024xf32>
    %add3A = arith.addf %slice3A, %slice3A_4 : vector<384x1024xf32>
    %slice3A_5 = vector.extract_strided_slice %get3A_3 {offsets = [0, 2048], sizes = [384, 1024], strides = [1, 1]} : vector<384x4096xf32> to vector<384x1024xf32>
    %slice3A_6 = vector.extract_strided_slice %get3A_3 {offsets = [0, 3072], sizes = [384, 1024], strides = [1, 1]} : vector<384x4096xf32> to vector<384x1024xf32>
    %add3A_7 = arith.addf %slice3A_5, %slice3A_6 : vector<384x1024xf32>
    %add3A_8 = arith.addf %add3A, %add3A_7 : vector<384x1024xf32>
    %slice3A_9 = vector.extract_strided_slice %add3A_8 {offsets = [0, 0], sizes = [384, 128], strides = [1, 1]} : vector<384x1024xf32> to vector<384x128xf32>
    %slice3A_10 = vector.extract_strided_slice %add3A_8 {offsets = [0, 128], sizes = [384, 128], strides = [1, 1]} : vector<384x1024xf32> to vector<384x128xf32>
    %slice3A_11 = vector.extract_strided_slice %add3A_8 {offsets = [0, 256], sizes = [384, 128], strides = [1, 1]} : vector<384x1024xf32> to vector<384x128xf32>
    %slice3A_12 = vector.extract_strided_slice %add3A_8 {offsets = [0, 384], sizes = [384, 128], strides = [1, 1]} : vector<384x1024xf32> to vector<384x128xf32>
    %slice3A_13 = vector.extract_strided_slice %add3A_8 {offsets = [0, 512], sizes = [384, 128], strides = [1, 1]} : vector<384x1024xf32> to vector<384x128xf32>
    %slice3A_14 = vector.extract_strided_slice %add3A_8 {offsets = [0, 640], sizes = [384, 128], strides = [1, 1]} : vector<384x1024xf32> to vector<384x128xf32>
    %slice3A_15 = vector.extract_strided_slice %add3A_8 {offsets = [0, 768], sizes = [384, 128], strides = [1, 1]} : vector<384x1024xf32> to vector<384x128xf32>
    %slice3A_16 = vector.extract_strided_slice %add3A_8 {offsets = [0, 896], sizes = [384, 128], strides = [1, 1]} : vector<384x1024xf32> to vector<384x128xf32>
    %add3A_17 = arith.addf %slice3A_9, %slice3A_13 : vector<384x128xf32>
    %add3A_18 = arith.addf %slice3A_10, %slice3A_14 : vector<384x128xf32>
    %add3A_19 = arith.addf %add3A_17, %add3A_18 : vector<384x128xf32>
    %add3A_20 = arith.addf %slice3A_11, %slice3A_15 : vector<384x128xf32>
    %add3A_21 = arith.addf %slice3A_12, %slice3A_16 : vector<384x128xf32>
    %add3A_22 = arith.addf %add3A_20, %add3A_21 : vector<384x128xf32>
    %add3A_23 = arith.addf %add3A_19, %add3A_22 : vector<384x128xf32>
    %reduce_sum3A = arith.constant dense<0.000000e+00> : vector<384xf32>
    %reduce_sum3A_24 = vector.multi_reduction <add>, %add3A_23, %reduce_sum3A [1] : vector<384x128xf32> to vector<384xf32>
    %mul3A = arith.constant 2.44140625E-4 : f32
    %mul3A_25 = vector.broadcast %mul3A : f32 to vector<384xf32>
    %mul3A_26 = arith.mulf %reduce_sum3A_24, %mul3A_25 : vector<384xf32>
    %get3A_27 = arith.constant 0 : index
    %get3A_28 = arith.constant 0 : index
    %get3A_29 = arith.constant 0 : index
    %get3A_30 = vector.load %arg2[%get3A_27, %get3A_28, %get3A_29] : memref<1x384x4096xf32, #tpu.memory_space<vmem>>, vector<1x384x4096xf32>
    %get3A_31 = vector.shape_cast %get3A_30 : vector<1x384x4096xf32> to vector<384x4096xf32>
    %slice3A_32 = vector.extract_strided_slice %get3A_31 {offsets = [0, 0], sizes = [384, 1024], strides = [1, 1]} : vector<384x4096xf32> to vector<384x1024xf32>
    %slice3A_33 = vector.extract_strided_slice %get3A_31 {offsets = [0, 1024], sizes = [384, 1024], strides = [1, 1]} : vector<384x4096xf32> to vector<384x1024xf32>
    %add3A_34 = arith.addf %slice3A_32, %slice3A_33 : vector<384x1024xf32>
    %slice3A_35 = vector.extract_strided_slice %get3A_31 {offsets = [0, 2048], sizes = [384, 1024], strides = [1, 1]} : vector<384x4096xf32> to vector<384x1024xf32>
    %slice3A_36 = vector.extract_strided_slice %get3A_31 {offsets = [0, 3072], sizes = [384, 1024], strides = [1, 1]} : vector<384x4096xf32> to vector<384x1024xf32>
    %add3A_37 = arith.addf %slice3A_35, %slice3A_36 : vector<384x1024xf32>
    %add3A_38 = arith.addf %add3A_34, %add3A_37 : vector<384x1024xf32>
    %slice3A_39 = vector.extract_strided_slice %add3A_38 {offsets = [0, 0], sizes = [384, 128], strides = [1, 1]} : vector<384x1024xf32> to vector<384x128xf32>
    %slice3A_40 = vector.extract_strided_slice %add3A_38 {offsets = [0, 128], sizes = [384, 128], strides = [1, 1]} : vector<384x1024xf32> to vector<384x128xf32>
    %slice3A_41 = vector.extract_strided_slice %add3A_38 {offsets = [0, 256], sizes = [384, 128], strides = [1, 1]} : vector<384x1024xf32> to vector<384x128xf32>
    %slice3A_42 = vector.extract_strided_slice %add3A_38 {offsets = [0, 384], sizes = [384, 128], strides = [1, 1]} : vector<384x1024xf32> to vector<384x128xf32>
    %slice3A_43 = vector.extract_strided_slice %add3A_38 {offsets = [0, 512], sizes = [384, 128], strides = [1, 1]} : vector<384x1024xf32> to vector<384x128xf32>
    %slice3A_44 = vector.extract_strided_slice %add3A_38 {offsets = [0, 640], sizes = [384, 128], strides = [1, 1]} : vector<384x1024xf32> to vector<384x128xf32>
    %slice3A_45 = vector.extract_strided_slice %add3A_38 {offsets = [0, 768], sizes = [384, 128], strides = [1, 1]} : vector<384x1024xf32> to vector<384x128xf32>
    %slice3A_46 = vector.extract_strided_slice %add3A_38 {offsets = [0, 896], sizes = [384, 128], strides = [1, 1]} : vector<384x1024xf32> to vector<384x128xf32>
    %add3A_47 = arith.addf %slice3A_39, %slice3A_43 : vector<384x128xf32>
    %add3A_48 = arith.addf %slice3A_40, %slice3A_44 : vector<384x128xf32>
    %add3A_49 = arith.addf %add3A_47, %add3A_48 : vector<384x128xf32>
    %add3A_50 = arith.addf %slice3A_41, %slice3A_45 : vector<384x128xf32>
    %add3A_51 = arith.addf %slice3A_42, %slice3A_46 : vector<384x128xf32>
    %add3A_52 = arith.addf %add3A_50, %add3A_51 : vector<384x128xf32>
    %add3A_53 = arith.addf %add3A_49, %add3A_52 : vector<384x128xf32>
    %reduce_sum3A_54 = arith.constant dense<0.000000e+00> : vector<384xf32>
    %reduce_sum3A_55 = vector.multi_reduction <add>, %add3A_53, %reduce_sum3A_54 [1] : vector<384x128xf32> to vector<384xf32>
    %mul3A_56 = arith.constant 2.44140625E-4 : f32
    %mul3A_57 = vector.broadcast %mul3A_56 : f32 to vector<384xf32>
    %mul3A_58 = arith.mulf %reduce_sum3A_55, %mul3A_57 : vector<384xf32>
    %concatenate3A = tpu.concatenate %mul3A_26, %mul3A_58 in 0 : vector<384xf32>, vector<384xf32> -> vector<768xf32>
    %broadcast_in_dim3A = vector.shape_cast %concatenate3A : vector<768xf32> to vector<768x1xf32>
    %broadcast_in_dim3A_59 = vector.shape_cast %concatenate3A : vector<768xf32> to vector<1x768xf32>
    %iota3A = tpu.iota {dimensions = array<i32: 0>} : vector<768x768xi32>
    %iota3A_60 = tpu.iota {dimensions = array<i32: 1>} : vector<768x768xi32>
    %gt3A = vector.broadcast %broadcast_in_dim3A : vector<768x1xf32> to vector<768x768xf32>
    %gt3A_61 = vector.broadcast %broadcast_in_dim3A_59 : vector<1x768xf32> to vector<768x768xf32>
    %gt3A_62 = arith.cmpf ogt, %gt3A, %gt3A_61 : vector<768x768xf32>
    %eq3A = vector.broadcast %broadcast_in_dim3A : vector<768x1xf32> to vector<768x768xf32>
    %eq3A_63 = vector.broadcast %broadcast_in_dim3A_59 : vector<1x768xf32> to vector<768x768xf32>
    %eq3A_64 = arith.cmpf oeq, %eq3A, %eq3A_63 : vector<768x768xf32>
    %lt3A = arith.cmpi slt, %iota3A, %iota3A_60 : vector<768x768xi32>
    %and3A = arith.andi %eq3A_64, %lt3A : vector<768x768xi1>
    %or3A = arith.ori %gt3A_62, %and3A : vector<768x768xi1>
    %convert_element_type3A = arith.extui %or3A : vector<768x768xi1> to vector<768x768xi32>
    %reduce_sum3A_65 = arith.constant dense<0> : vector<768xi32>
    %reduce_sum3A_66 = vector.multi_reduction <add>, %convert_element_type3A, %reduce_sum3A_65 [0] : vector<768x768xi32> to vector<768xi32>
    %iota3A_67 = tpu.iota {dimensions = array<i32: 0>} : vector<768x768xi32>
    %broadcast_in_dim3A_68 = vector.shape_cast %reduce_sum3A_66 : vector<768xi32> to vector<1x768xi32>
    %eq3A_69 = vector.broadcast %broadcast_in_dim3A_68 : vector<1x768xi32> to vector<768x768xi32>
    %eq3A_70 = arith.cmpi eq, %eq3A_69, %iota3A_67 : vector<768x768xi32>
    %convert_element_type3A_71 = arith.extui %eq3A_70 : vector<768x768xi1> to vector<768x768xi32>
    %convert_element_type3A_72 = arith.sitofp %convert_element_type3A_71 : vector<768x768xi32> to vector<768x768xf32>
    %convert_element_type3A_73 = arith.sitofp %iota3A_60 : vector<768x768xi32> to vector<768x768xf32>
    %mul3A_74 = arith.mulf %convert_element_type3A_72, %convert_element_type3A_73 : vector<768x768xf32>
    %reduce_sum3A_75 = arith.constant dense<0.000000e+00> : vector<768xf32>
    %reduce_sum3A_76 = vector.multi_reduction <add>, %mul3A_74, %reduce_sum3A_75 [1] : vector<768x768xf32> to vector<768xf32>
    %convert_element_type3A_77 = arith.fptosi %reduce_sum3A_76 : vector<768xf32> to vector<768xi32>
    %swap3A = arith.constant 0 : index
    %swap3A_78 = arith.constant 0 : index
    %swap3A_79 = arith.constant 0 : index
    %swap3A_80 = vector.load %arg3[%swap3A, %swap3A_78, %swap3A_79] : memref<1x1x768xi32, #tpu.memory_space<vmem>>, vector<1x1x768xi32>
    %swap3A_81 = vector.shape_cast %swap3A_80 : vector<1x1x768xi32> to vector<768xi32>
    %swap3A_82 = vector.shape_cast %convert_element_type3A_77 : vector<768xi32> to vector<1x1x768xi32>
    tpu.vector_store %arg3[%swap3A, %swap3A_78, %swap3A_79], %swap3A_82 {strides = array<i32>} : memref<1x1x768xi32, #tpu.memory_space<vmem>>, vector<1x1x768xi32>,
    %broadcast_in_dim3A_83 = vector.shape_cast %concatenate3A : vector<768xf32> to vector<1x768xf32>
    %mul3A_84 = vector.broadcast %broadcast_in_dim3A_83 : vector<1x768xf32> to vector<768x768xf32>
    %mul3A_85 = arith.mulf %convert_element_type3A_72, %mul3A_84 : vector<768x768xf32>
    %reduce_sum3A_86 = arith.constant dense<0.000000e+00> : vector<768xf32>
    %reduce_sum3A_87 = vector.multi_reduction <add>, %mul3A_85, %reduce_sum3A_86 [1] : vector<768x768xf32> to vector<768xf32>
    %slice3A_88 = vector.extract_strided_slice %reduce_sum3A_87 {offsets = [0], sizes = [767], strides = [1]} : vector<768xf32> to vector<767xf32>
    %slice3A_89 = vector.extract_strided_slice %reduce_sum3A_87 {offsets = [1], sizes = [767], strides = [1]} : vector<768xf32> to vector<767xf32>
    %sub3A = arith.subf %slice3A_88, %slice3A_89 : vector<767xf32>
    %reduce_min3A = vector.shape_cast %sub3A : vector<767xf32> to vector<1x767xf32>
    %reduce_min3A_90 = arith.constant dense<0x7F800000> : vector<1xf32>
    %reduce_min3A_91 = vector.multi_reduction <minimumf>, %reduce_min3A, %reduce_min3A_90 [1] : vector<1x767xf32> to vector<1xf32>
    %reduce_min3A_92 = vector.shape_cast %reduce_min3A_91 : vector<1xf32> to vector<1x1xf32>
    %reduce_min3A_93 = vector.extract %reduce_min3A_92[0, 0] : f32 from vector<1x1xf32>
    %broadcast_in_dim3A_94 = vector.broadcast %reduce_min3A_93 : f32 to vector<128xf32>
    %swap3A_95 = arith.constant 0 : index
    %swap3A_96 = arith.constant 0 : index
    %swap3A_97 = arith.constant 0 : index
    %swap3A_98 = vector.load %arg4[%swap3A_95, %swap3A_96, %swap3A_97] : memref<1x1x128xf32, #tpu.memory_space<vmem>>, vector<1x1x128xf32>
    %swap3A_99 = vector.shape_cast %swap3A_98 : vector<1x1x128xf32> to vector<128xf32>
    %swap3A_100 = vector.shape_cast %broadcast_in_dim3A_94 : vector<128xf32> to vector<1x1x128xf32>
    tpu.vector_store %arg4[%swap3A_95, %swap3A_96, %swap3A_97], %swap3A_100 {strides = array<i32>} : memref<1x1x128xf32, #tpu.memory_space<vmem>>, vector<1x1x128xf32>,
    return
  }
  func.func @transform_0(%arg0: i32) -> (i32, i32, i32) {
    %c0_i32 = arith.constant 0 : i32
    %c0_i32_0 = arith.constant 0 : i32
    %c0_i32_1 = arith.constant 0 : i32
    return %arg0, %c0_i32, %c0_i32_0 : i32, i32, i32
  }
  func.func @transform_1(%arg0: i32) -> (i32, i32, i32) {
    %c0_i32 = arith.constant 0 : i32
    %c0_i32_0 = arith.constant 0 : i32
    %c0_i32_1 = arith.constant 0 : i32
    return %arg0, %c0_i32, %c0_i32_0 : i32, i32, i32
  }
  func.func @transform_2(%arg0: i32) -> (i32, i32, i32) {
    %c0_i32 = arith.constant 0 : i32
    %c0_i32_0 = arith.constant 0 : i32
    %c0_i32_1 = arith.constant 0 : i32
    return %arg0, %c0_i32, %c0_i32_0 : i32, i32, i32
  }
  func.func @transform_3(%arg0: i32) -> (i32, i32, i32) {
    %c0_i32 = arith.constant 0 : i32
    %c0_i32_0 = arith.constant 0 : i32
    %c0_i32_1 = arith.constant 0 : i32
    return %arg0, %c0_i32, %c0_i32_0 : i32, i32, i32
  }
}

module attributes {stable_mosaic.version = 14 : i64} {
  func.func @_route_body(%arg0: i32, %arg1: i32, %arg2: memref<1x1x768xi32, #tpu.memory_space<vmem>>, %arg3: memref<128x384xf32, #tpu.memory_space<vmem>>, %arg4: memref<1x384x2048xf32, #tpu.memory_space<vmem>>, %arg5: memref<1x384x2048xf32, #tpu.memory_space<vmem>>, %arg6: memref<1x512x2048xf32, #tpu.memory_space<vmem>>, %arg7: memref<512x768xf32, #tpu.memory_space<vmem>>) attributes {dimension_semantics = [#tpu.dimension_semantics<parallel>, #tpu.dimension_semantics<arbitrary>], iteration_bounds = array<i64: 8, 2>, scalar_prefetch = 0 : i64, scratch_operands = 1 : i64, tpu.core_type = #tpu.core_type<tc>, window_params = [{transform_indices = @transform_0, window_bounds = array<i64: 1, 1, 768>}, {pipeline_mode = #tpu.pipeline_mode<synchronous>, transform_indices = @transform_1, window_bounds = array<i64: 128, 384>}, {transform_indices = @transform_2, window_bounds = array<i64: 1, 384, 2048>}, {transform_indices = @transform_3, window_bounds = array<i64: 1, 384, 2048>}, {transform_indices = @transform_4, window_bounds = array<i64: 1, 512, 2048>}]} {
    %eq3A = arith.constant 0 : i32
    %eq3A_0 = arith.cmpi eq, %arg1, %eq3A : i32
    %convert_element_type3A = arith.extui %eq3A_0 : i1 to i32
    %cond3A = arith.constant 0 : i32
    %cond3A_1 = arith.cmpi ne, %convert_element_type3A, %cond3A : i32
    scf.if %cond3A_1 {
      %get3A_23 = arith.constant 0 : index
      %get3A_24 = arith.constant 0 : index
      %get3A_25 = arith.constant 0 : index
      %get3A_26 = vector.load %arg2[%get3A_23, %get3A_24, %get3A_25] : memref<1x1x768xi32, #tpu.memory_space<vmem>>, vector<1x1x768xi32>
      %get3A_27 = vector.shape_cast %get3A_26 : vector<1x1x768xi32> to vector<768xi32>
      %iota3A = tpu.iota {dimensions = array<i32: 1>} : vector<384x768xi32>
      %slice3A_28 = vector.extract_strided_slice %get3A_27 {offsets = [0], sizes = [384], strides = [1]} : vector<768xi32> to vector<384xi32>
      %broadcast_in_dim3A = vector.shape_cast %slice3A_28 : vector<384xi32> to vector<384x1xi32>
      %eq3A_29 = vector.broadcast %broadcast_in_dim3A : vector<384x1xi32> to vector<384x768xi32>
      %eq3A_30 = arith.cmpi eq, %eq3A_29, %iota3A : vector<384x768xi32>
      %convert_element_type3A_31 = arith.extui %eq3A_30 : vector<384x768xi1> to vector<384x768xi32>
      %convert_element_type3A_32 = arith.sitofp %convert_element_type3A_31 : vector<384x768xi32> to vector<384x768xf32>
      %slice3A_33 = vector.extract_strided_slice %get3A_27 {offsets = [384], sizes = [384], strides = [1]} : vector<768xi32> to vector<384xi32>
      %broadcast_in_dim3A_34 = vector.shape_cast %slice3A_33 : vector<384xi32> to vector<384x1xi32>
      %eq3A_35 = vector.broadcast %broadcast_in_dim3A_34 : vector<384x1xi32> to vector<384x768xi32>
      %eq3A_36 = arith.cmpi eq, %eq3A_35, %iota3A : vector<384x768xi32>
      %convert_element_type3A_37 = arith.extui %eq3A_36 : vector<384x768xi1> to vector<384x768xi32>
      %convert_element_type3A_38 = arith.sitofp %convert_element_type3A_37 : vector<384x768xi32> to vector<384x768xf32>
      %swap3A_39 = arith.constant 0 : index
      %swap3A_40 = arith.constant 0 : index
      %swap3A_41 = vector.load %arg7[%swap3A_39, %swap3A_40] : memref<512x768xf32, #tpu.memory_space<vmem>>, vector<384x768xf32>
      tpu.vector_store %arg7[%swap3A_39, %swap3A_40], %convert_element_type3A_32 {strides = array<i32>} : memref<512x768xf32, #tpu.memory_space<vmem>>, vector<384x768xf32>,
      %get3A_42 = arith.constant 0 : index
      %get3A_43 = arith.constant 0 : index
      %get3A_44 = vector.load %arg3[%get3A_42, %get3A_43] : memref<128x384xf32, #tpu.memory_space<vmem>>, vector<128x384xf32>
      %dot_general3A_45 = arith.constant dense<0.000000e+00> : vector<128x768xf32>
      %dot_general3A_46 = tpu.matmul %get3A_44, %convert_element_type3A_38, %dot_general3A_45 {dimension_numbers = #tpu.dot_dimension_numbers<[1], [0], [0], [1], [0, 0, 1, 1], [], []>, transpose_lhs_hint = false} : vector<128x384xf32>, vector<384x768xf32>, vector<128x768xf32> -> vector<128x768xf32>
      %swap3A_47 = arith.constant 384 : index
      %swap3A_48 = arith.constant 0 : index
      %swap3A_49 = vector.load %arg7[%swap3A_47, %swap3A_48] : memref<512x768xf32, #tpu.memory_space<vmem>>, vector<128x768xf32>
      tpu.vector_store %arg7[%swap3A_47, %swap3A_48], %dot_general3A_46 {strides = array<i32>} : memref<512x768xf32, #tpu.memory_space<vmem>>, vector<128x768xf32>,
    } else {
    }
    %get3A = arith.constant 0 : index
    %get3A_2 = arith.constant 0 : index
    %get3A_3 = vector.load %arg7[%get3A, %get3A_2] : memref<512x768xf32, #tpu.memory_space<vmem>>, vector<512x768xf32>
    %slice3A = vector.extract_strided_slice %get3A_3 {offsets = [0, 0], sizes = [512, 384], strides = [1, 1]} : vector<512x768xf32> to vector<512x384xf32>
    %get3A_4 = arith.constant 0 : index
    %get3A_5 = arith.constant 0 : index
    %get3A_6 = arith.constant 0 : index
    %get3A_7 = vector.load %arg4[%get3A_4, %get3A_5, %get3A_6] : memref<1x384x2048xf32, #tpu.memory_space<vmem>>, vector<1x384x2048xf32>
    %get3A_8 = vector.shape_cast %get3A_7 : vector<1x384x2048xf32> to vector<384x2048xf32>
    %dot_general3A = arith.constant dense<0.000000e+00> : vector<512x2048xf32>
    %dot_general3A_9 = tpu.matmul %slice3A, %get3A_8, %dot_general3A {dimension_numbers = #tpu.dot_dimension_numbers<[1], [0], [0], [1], [0, 0, 1, 1], [], []>, transpose_lhs_hint = false} : vector<512x384xf32>, vector<384x2048xf32>, vector<512x2048xf32> -> vector<512x2048xf32>
    %slice3A_10 = vector.extract_strided_slice %get3A_3 {offsets = [0, 384], sizes = [512, 384], strides = [1, 1]} : vector<512x768xf32> to vector<512x384xf32>
    %get3A_11 = arith.constant 0 : index
    %get3A_12 = arith.constant 0 : index
    %get3A_13 = arith.constant 0 : index
    %get3A_14 = vector.load %arg5[%get3A_11, %get3A_12, %get3A_13] : memref<1x384x2048xf32, #tpu.memory_space<vmem>>, vector<1x384x2048xf32>
    %get3A_15 = vector.shape_cast %get3A_14 : vector<1x384x2048xf32> to vector<384x2048xf32>
    %dot_general3A_16 = arith.constant dense<0.000000e+00> : vector<512x2048xf32>
    %dot_general3A_17 = tpu.matmul %slice3A_10, %get3A_15, %dot_general3A_16 {dimension_numbers = #tpu.dot_dimension_numbers<[1], [0], [0], [1], [0, 0, 1, 1], [], []>, transpose_lhs_hint = false} : vector<512x384xf32>, vector<384x2048xf32>, vector<512x2048xf32> -> vector<512x2048xf32>
    %add3A = arith.addf %dot_general3A_9, %dot_general3A_17 : vector<512x2048xf32>
    %swap3A = arith.constant 0 : index
    %swap3A_18 = arith.constant 0 : index
    %swap3A_19 = arith.constant 0 : index
    %swap3A_20 = vector.load %arg6[%swap3A, %swap3A_18, %swap3A_19] : memref<1x512x2048xf32, #tpu.memory_space<vmem>>, vector<1x512x2048xf32>
    %swap3A_21 = vector.shape_cast %swap3A_20 : vector<1x512x2048xf32> to vector<512x2048xf32>
    %swap3A_22 = vector.shape_cast %add3A : vector<512x2048xf32> to vector<1x512x2048xf32>
    tpu.vector_store %arg6[%swap3A, %swap3A_18, %swap3A_19], %swap3A_22 {strides = array<i32>} : memref<1x512x2048xf32, #tpu.memory_space<vmem>>, vector<1x512x2048xf32>,
    return
  }
  func.func @transform_0(%arg0: i32, %arg1: i32) -> (i32, i32, i32) {
    %c0_i32 = arith.constant 0 : i32
    %c0_i32_0 = arith.constant 0 : i32
    %c0_i32_1 = arith.constant 0 : i32
    return %arg0, %c0_i32, %c0_i32_0 : i32, i32, i32
  }
  func.func @transform_1(%arg0: i32, %arg1: i32) -> (i32, i32) {
    %c0_i32 = arith.constant 0 : i32
    %c0_i32_0 = arith.constant 0 : i32
    %c0_i32_1 = arith.constant 0 : i32
    return %c0_i32, %c0_i32_0 : i32, i32
  }
  func.func @transform_2(%arg0: i32, %arg1: i32) -> (i32, i32, i32) {
    %c0_i32 = arith.constant 0 : i32
    %c0_i32_0 = arith.constant 0 : i32
    return %arg0, %c0_i32, %arg1 : i32, i32, i32
  }
  func.func @transform_3(%arg0: i32, %arg1: i32) -> (i32, i32, i32) {
    %c0_i32 = arith.constant 0 : i32
    %c0_i32_0 = arith.constant 0 : i32
    return %arg0, %c0_i32, %arg1 : i32, i32, i32
  }
  func.func @transform_4(%arg0: i32, %arg1: i32) -> (i32, i32, i32) {
    %c0_i32 = arith.constant 0 : i32
    %c0_i32_0 = arith.constant 0 : i32
    return %arg0, %c0_i32, %arg1 : i32, i32, i32
  }
}

</mosaic_0001>

<sc_bundles>
// kernel: gather_offload_async_start
scs
__scs_entry_jumppad:
0x0: {  	(pc) =	sbr.rel $0x88, $3  }
0x1: {  	(tag) =	ssettag $0x0;
	lr =	simm.s32 $0x1  }
0x2: {  	[smem:$0x3F9E] =	sst lr;
	_ =	strace $0xD0000000  }
0x3: {  	_ = 	snop  }
0x4: {  	_ = 	snop  }
0x5: {  	_ = 	snop  }
0x6: {  	_ = 	snop  }
0x7: {  	_ = 	snop  }
__scs_overlays_trampoline_lowered:
0x8: {  	[smem:$0x3FAD] =	sst s0  }
0x9: {  	[smem:$0x3FAE] =	sst s1  }
0xa: {  	[smem:$0x3FAF] =	sst s2  }
0xb: {  	[smem:$0x3FB0] =	sst s3  }
0xc: {  	[smem:$0x3FB1] =	sst s4  }
0xd: {  	[smem:$0x3FB2] =	sst s5  }
0xe: {  	[smem:$0x3FB3] =	sst s6  }
0xf: {  	[smem:$0x3FB4] =	sst s7  }
0x10: {  	[smem:$0x3FB5] =	sst s8  }
0x11: {  	[smem:$0x3FB6] =	sst s9;
	s0 =	simm.s32 @!p0 $0x0  }
0x12: {  	s1 =	sld [smem:$0x3F9C];
	s0 =	simm.s32 @p0 $0x1  }
0x13: {  	[smem:$0x3FB7] =	sst s0;
	s0 =	simm.s32 @!p1 $0x0  }
0x14: {  	s2 =	sld [smem:$0x3F9B];
	s0 =	simm.s32 @p1 $0x1  }
0x15: {  	[smem:$0x3FB8] =	sst s0;
	s0 =	simm.s32 @!p2 $0x0  }
0x16: {  	s3 =	sld [smem:$0x3FDB];
	s0 =	simm.s32 @p2 $0x1  }
0x17: {  	s4 =	simm.s32 $0x1BF5;
	[smem:$0x3FBA] =	sst s0  }
0x18: {  	s0 =	sld [smem:$0x3F9D];
	_ =	swait.ge [sflag:s4], $0x0  }
0x19: {  	s7 =	sld [smem:$0x3F9E]  }
0x1a: {  	s8 =	sadd.s32 $0xFFFFE003, lr  }
0x1b: {  	s9 =	sadd.s32 $0xFFFFFEF7, lr;
	s5 =	simm.s32 $0xFFFFFFFF;
	p2 =	slt.u32 s8, $0xFFFFF086  }
0x1c: {  	p1 =	slt.u32 s9, $0xF7A;
	s5 =	simm.s32 @!p2 $0x0  }
0x1d: {  	s5 =	simm.s32 @p1 $0x1;
	p0 =	seq.s32 s7, s2  }
0x1e: {  	s7 =	smul.u32 @!p0 $0xF7A, s2;
	p2 =	seq.s32 @!p0 s5, $0x0  }
0x1f: {  	s9 =	smul.u32 $0xF7A, s1;
	s8 =	simm.s32 @!p0 $0x1BF5;
	p2 =	por !p2, p0  }
0x20: {  	[sflag:s8] =	ssyncset.s32 @!p0 $0xFFFFF086;
	s6 =	sadd.s32 @!p0 s3, s7;
	s7 =	simm.s32 @!p0 $0x108  }
0x21: {  	s3 =	sadd.s32 s3, s9;
	s6 =	sadd.s32 @!p0 $0x88, s6;
	s7 =	simm.s32 @p2 $0x1082  }
0x22: {  	[simem:s7], [sflag:s8] =	dma.local @!p0 [hbm:s6], $0xF7A  }
0x23: {  	s9 =	sor.u32 $0xD0000000, s2;
	s6 =	simm.s32 $0x108;
	_ =	swait.ge @!p0 [sflag:s8], $0x0  }
0x24: {  	s3 =	sadd.s32 $0x88, s3;
	s6 =	simm.s32 @!p1 $0x1082;
	[sflag:s4] =	ssyncset.s32 $0xFFFFF086  }
0x25: {  	[simem:s6], [sflag:s4] =	dma.local [hbm:s3], $0xF7A  }
0x26: {  	[smem:$0x3F9E] =	sst s1;
	(tag) =	ssettag s2;
	_ =	strace s9  }
0x27: {  	s1 =	sld [smem:$0x3FAE]  }
0x28: {  	s2 =	sld [smem:$0x3FAF]  }
0x29: {  	s4 =	sld [smem:$0x3FB1]  }
0x2a: {  	p0 =	seq.s32 s5, $0x0;
	s5 =	sld [smem:$0x3FB2]  }
0x2b: {  	s6 =	sld [smem:$0x3FB3]  }
0x2c: {  	s7 =	sld [smem:$0x3FB4]  }
0x2d: {  	s3 =	simm.s32 $0x108;
	s8 =	sld [smem:$0x3FB5]  }
0x2e: {  	s3 =	simm.s32 @!p0 $0x1082;
	s9 =	sld [smem:$0x3FB6]  }
0x2f: {  	lr =	sadd.s32 s0, s3;
	s0 =	sld [smem:$0x3FAD]  }
0x30: {  	s3 =	sld [smem:$0x3FB0]  }
0x31: {  	[smem:$0x3FB9] =	sst s10  }
0x32: {  	s10 =	sld [smem:$0x3FB7];
	_ =	sdelay $0x3  }
0x33: {  	p0 =	seq.s32 s10, $0x1;
	s10 =	sld [smem:$0x3FB9];
	_ =	sdelay $0x3  }
0x34: {  	[smem:$0x3FB9] =	sst s10  }
0x35: {  	s10 =	sld [smem:$0x3FB8];
	_ =	sdelay $0x3  }
0x36: {  	p1 =	seq.s32 s10, $0x1;
	s10 =	sld [smem:$0x3FB9];
	_ =	sdelay $0x3  }
0x37: {  	[smem:$0x3FB9] =	sst s10  }
0x38: {  	s10 =	sld [smem:$0x3FBA]  }
0x39: {  	_ = 	snop;
	(pc) =	sbr.ind lr, $3  }
0x3a: {  	_ = 	snop  }
0x3b: {  	_ = 	snop  }
0x3c: {  	p2 =	seq.s32 s10, $0x1;
	s10 =	sld [smem:$0x3FB9]  }
0x3d: {  	_ =	shalt  }
0x3e: {  	_ =	shalt  }
0x3f: {  	_ =	shalt  }
0x40: {  	_ =	shalt  }
0x41: {  	_ =	shalt  }
0x42: {  	_ =	shalt  }
0x43: {  	_ =	shalt  }
0x44: {  	_ =	shalt  }
0x45: {  	_ =	shalt  }
0x46: {  	_ =	shalt  }
0x47: {  	_ =	shalt  }
0x48: {  	_ =	shalt  }
0x49: {  	_ =	shalt  }
0x4a: {  	_ =	shalt  }
0x4b: {  	_ =	shalt  }
0x4c: {  	_ =	shalt  }
0x4d: {  	_ =	shalt  }
0x4e: {  	_ =	shalt  }
0x4f: {  	_ =	shalt  }
0x50: {  	_ =	shalt  }
0x51: {  	_ =	shalt  }
0x52: {  	_ =	shalt  }
0x53: {  	_ =	shalt  }
0x54: {  	_ =	shalt  }
0x55: {  	_ =	shalt  }
0x56: {  	_ =	shalt  }
0x57: {  	_ =	shalt  }
0x58: {  	_ =	shalt  }
0x59: {  	_ =	shalt  }
0x5a: {  	_ =	shalt  }
0x5b: {  	_ =	shalt  }
0x5c: {  	_ =	shalt  }
0x5d: {  	_ =	shalt  }
0x5e: {  	_ =	shalt  }
0x5f: {  	_ =	shalt  }
0x60: {  	_ =	shalt  }
0x61: {  	_ =	shalt  }
0x62: {  	_ =	shalt  }
0x63: {  	_ =	shalt  }
0x64: {  	_ =	shalt  }
0x65: {  	_ =	shalt  }
0x66: {  	_ =	shalt  }
0x67: {  	_ =	shalt  }
0x68: {  	_ =	shalt  }
0x69: {  	_ =	shalt  }
0x6a: {  	_ =	shalt  }
0x6b: {  	_ =	shalt  }
0x6c: {  	_ =	shalt  }
0x6d: {  	_ =	shalt  }
0x6e: {  	_ =	shalt  }
0x6f: {  	_ =	shalt  }
0x70: {  	_ =	shalt  }
0x71: {  	_ =	shalt  }
0x72: {  	_ =	shalt  }
0x73: {  	_ =	shalt  }
0x74: {  	_ =	shalt  }
0x75: {  	_ =	shalt  }
0x76: {  	_ =	shalt  }
0x77: {  	_ =	shalt  }
0x78: {  	_ =	shalt  }
0x79: {  	_ =	shalt  }
0x7a: {  	_ =	shalt  }
0x7b: {  	_ =	shalt  }
0x7c: {  	_ =	shalt  }
0x7d: {  	_ =	shalt  }
0x7e: {  	_ =	shalt  }
0x7f: {  	_ =	shalt  }
0x80: {  	_ =	shalt  }
0x81: {  	_ =	shalt  }
0x82: {  	_ =	shalt  }
0x83: {  	_ =	shalt  }
0x84: {  	_ =	shalt  }
0x85: {  	_ =	shalt  }
0x86: {  	_ =	shalt  }
0x87: {  	_ =	shalt  }
.Lfunc_end0:
.L_simem_size_0:
called_computation.1_lowered:
.L_overlay_start_0:
0x88: {  	s2 =	sld [smem:$0x3FD9]  }
0x89: {  	s3 =	sld [smem:$0x3FFE];
	_ =	sdelay $0x1  }
0x8a: {  	s1 =	srdreg.scid  }
0x8b: {  	s0 =	sand.u32 $0x1, s1  }
0x8c: {  	s16 =	sshll.u32 s0, $0xA;
	s2 =	sadd.s32 s3, s2  }
0x8d: {  	s2 =	sadd.s32 s2, s16  }
0x8e: {  	[smem:$0x3FC5] =	sst s2  }
0x8f: {  	_ = 	snop  }
0x90: {  	(tm) =	ssettm $0x1  }
0x91: {  	s17 =	sld [smem:$0x3FFB];
	_ =	sdelay $0x3  }
0x92: {  	_ =	strace s17  }
0x93: {  	s2 =	sld [smem:$0x3FFC];
	_ =	sdelay $0x3  }
0x94: {  	_ =	strace s2  }
0x95: {  	s2 =	sld [smem:$0x3FFD];
	_ =	sdelay $0x3  }
0x96: {  	_ =	strace s2  }
0x97: {  	_ =	strace $0x8FFFFFFF  }
0x98: {  	s18 =	sld [smem:$0x3FDB];
	_ =	sdelay $0x1  }
0x99: {  	s19 =	simm.s32 $_scs_section_size  }
0x9a: {  	s4 =	simm.s32 $_size__tile_overlayer_lowered;
	s5 =	simm.s32 $_tile_overlayer_lowered  }
0x9b: {  	s22 =	simm.s32 $0x1BFF;
	s21 =	sshll.u32 s5, $0x1;
	s2 =	sadd.s32 s19, s18  }
0x9c: {  	s6 =	simm.s32 $0x0;
	s20 =	sshll.u32 s4, $0x1;
	s4 =	sadd.s32 s21, s2  }
0x9d: {  	[timem:s6], [sflag:s22] =	dma.local [hbm:s4], s20  }
0x9e: {  	_ =	swait.ge [sflag:s22], s20  }
0x9f: {  	s3 =	ssub.s32 $0x0, s20;
	[sflag:s22] =	ssyncset.done $0x0  }
0xa0: {  	[sflag:s22] =	ssyncadd.s32 s3;
	_ =	sdelay $0x1  }
0xa1: {  	s23 =	simm.s32 $0x1B8B  }
0xa2: {  	_ =	swait.ge [sflag:s23], $0x1  }
0xa3: {  	[sflag:s23] =	ssyncset.done $0x0  }
0xa4: {  	s25 =	simm.s32 $0x1B8E;
	s24 =	sld [smem:$0x3FFE];
	[sflag:s23] =	ssyncadd.s32 $0xFFFFFFFF  }
0xa5: {  	s26 =	simm.s32 $execute0_lowered;
	[smem:$0x3FD2] =	sst s25  }
0xa6: {  	s4 =	sshll.u32 s26, $0x1;
	_ =	strace $0x80000046;
	[dreg:$0x1] =	wrdreg $0xFFFFFFFF  }
0xa7: {  	s28 =	simm.s32 $_size_execute0_lowered;
	s2 =	sadd.s32 s2, s4;
	[dreg:$0x0] =	wrdreg $0x0  }
0xa8: {  	s4 =	sshll.u32 s28, $0x1;
	[dreg:$0x2] =	wrdreg s2  }
0xa9: {  	[dreg:$0x3] =	wrdreg s4  }
0xaa: {  	[dreg:$0x4] =	wrdreg $0xC0  }
0xab: {  	_ =	task [dreg:s6], $0x5FFFF  }
0xac: {  	[dreg:$0x1] =	wrdreg $0xFFFFFFFF  }
0xad: {  	[dreg:$0x0] =	wrdreg $0x60  }
0xae: {  	[dreg:$0x2] =	wrdreg s24  }
0xaf: {  	[dreg:$0x3] =	wrdreg $0x9  }
0xb0: {  	_ =	task.clear_ibuf [dreg:s6], $0x4FFFF;
	_ =	strace $0x90000046  }
0xb1: {  	s29 =	simm.s32 $0x9;
	_ =	strace $0x80000048  }
0xb2: {  	_ =	swait.ge [sflag:s29], $0x1  }
0xb3: {  	[sflag:s29] =	ssyncadd.s32 $0xFFFFFFFF  }
0xb4: {  	_ =	strace $0x90000048  }
0xb5: {  	_ =	sfence  }
0xb6: {  	s30 =	sld [smem:$0x0];
	_ =	sdelay $0x2  }
0xb7: {  	s31 =	sshll.u32 s1, $0xD;
	s1 =	sshrl.u32 s1, $0x2  }
0xb8: {  	s3 =	sand.u32 $0x4000, s31;
	s1 =	sadd.s32 s1, s30  }
0xb9: {  	s0 =	sor.u32 s3, s0;
	s1 =	sshll.u32 s1, $0x11  }
0xba: {  	s0 =	sor.u32 s1, s0  }
0xbb: {  	s0 =	sadd.s32 $0x8F2B, s0  }
0xbc: {  	[sflag:s0] =	ssyncadd.remote.s32 $0x1  }
0xbd: {  	_ =	sfence.sel $0xFFFF  }
0xbe: {  	[dreg:$0x0] =	wrdreg $0xFFFFFFFF;
	(pc) =	sbr.abs _section_cstart, $3  }
0xbf: {  	[dreg:$0x1] =	wrdreg $0xFFFFFFFF  }
0xc0: {  	_ =	task.clear_ibuf [dreg:s6], $0x2FFFF;
	_ =	strace $0x9FFFFFFF  }
0xc1: {  	(tm) =	ssettm $0x7FFFFFFF  }
tec
execute0_lowered:
.L_overlay_start_1:
0x0: {  	(tag) =	ssettag $0x1  }
0x1: {  	s0 =	srdreg.scid;
	s6 =	rddreg [dreg:$0x0]  }
0x2: {  	s1 =	stileid.u32;
	s4 =	simm.s32 $0x1;
	s7 =	simm.s32 $0x2  }
0x3: {  	s9 =	simm.s32 $0x3;
	s13 =	simm.s32 $0x0;
	p0 =	por $0x0, $0x0  }
0x4: {  	s12 =	simm.s32 $0x0;
	s2 =	sshll.u32 s0, $0x4;
	s0 =	rddreg [dreg:$0x1]  }
.Ltmp0:
0x5: {  	_ =	strace $0x80000047;
	s3 =	sand.u32 $0x10, s2;
	(pc) =	sbr.rel .LBB2_1-.Ltmp0, $4  }
0x6: {  	s10 =	simm.s32 $0x0;
	[sflag:s4] =	ssyncpa.u1 $0x0;
	s5 =	sor.u32 s1, s3  }
0x7: {  	s2 =	sadd.s32 $0x780800, s6;
	[sflag:s7] =	ssyncpa.u1 $0x0;
	s5 =	smul.u32 $0xC0, s5  }
0x8: {  	s3 =	sadd.s32 $0x180C00, s6;
	s6 =	sadd.s32 $0xD80800, s6;
	[sflag:s9] =	ssyncpa.u1 $0x0  }
0x9: {  	vm0 =	vmmov $0xffff;
	s9 =	simm.s32 $0x0;
	s8 =	sadd.s32 $0xC0, s5;
	s11 =	smov.u32 s5  }
.LBB2_6:
0xa: {  	[hbm:s16] =	stream.linear.scatter [tilespmem:s13], [sflag:$0x3], $0x400, $0x38;
	[tilespmem:$0x18060] =	vst v63  }
.LBB2_7:
0xb: {  	s14 =	sadd.s32 $0x8, s10;
	s12 =	sadd.s32 $0x30, s11;
	s13 =	smov.u32 s11  }
0xc: {  	p2 =	slt.u32 s9, $0x2;
	s9 =	sadd.s32 $0x1, s9;
	p1 =	sgt.s32 s14, $0x3F  }
0xd: {  	s13 =	smov.u32 @p1 s12;
	s14 =	simm.s32 @p1 $0x0;
	p1 =	sne.s32 s9, $0x22  }
.Ltmp1:
0xe: {  	_ = 	snop;
	(pc) =	sbr.rel @!p1 .LBB2_8-.Ltmp1, $4  }
0xf: {  	s16 =	smov.u32 s5;
	p0 =	por !p0, !p0;
	s15 =	simm.s32 @!p2 $0x3  }
0x10: {  	_ =	swait.ge @!p2 [sflag:s15], $0xC000;
	s12 =	smov.u32 s11;
	p3 =	slt.s32 s13, s8  }
0x11: {  	[sflag:s15] =	ssyncset.done @!p2 $0x0;
	s16 =	smov.u32 @p3 s13;
	s13 =	smov.u32 s10  }
0x12: {  	[sflag:s15] =	ssyncadd.s32 @!p2 $0xFFFF4000;
	s10 =	smov.u32 s14;
	s11 =	smov.u32 s16  }
.LBB2_1:
0x13: {  	p1 =	sgt.u32 s9, $0x1F  }
0x14: {  	s14 =	sxor.u32 @!p1 $0xFFFFFFFF, s9  }
0x15: {  	s14 =	sand.u32 @!p1 $0x1, s14  }
0x16: {  	s14 =	smul.u32 @!p1 $0xC0, s14  }
0x17: {  	s31 =	sadd.s32 $0xFFFFFFFF, s9;
	s15 =	sshrl.u32 @!p1 s11, $0x3  }
0x18: {  	s16 =	sand.u32 @!p1 $0x7, s11;
	s15 =	sadd.s32 @!p1 s3, s15;
	s14 =	sshrl.u32 @!p1 s14, $0x2  }
0x19: {  	[tilespmem:s14], [sflag:$0x2] =	stream.linear.gather @!p1 [hbm4b:s15+s16], $0x30, $0x38;
	[tilespmem:$0x18060] =	vst v63  }
0x1a: {  	p1 =	sgt.u32 s31, $0x1F  }
.Ltmp2:
0x1b: {  	_ = 	snop;
	(pc) =	sbr.rel @p1 .LBB2_7-.Ltmp2, $1  }
0x1c: {  	_ =	sdelay $0x3  }
0x1d: {  	s15 =	simm.s32 $0x1  }
0x1e: {  	s15 =	simm.s32 @!p0 $0x0  }
0x1f: {  	s14 =	smul.u32 $0xC0, s15  }
0x20: {  	_ =	swait.ge [sflag:s7], $0x30  }
0x21: {  	[sflag:s7] =	ssyncset.done $0x0;
	s14 =	sshrl.u32 s14, $0x2  }
0x22: {  	[sflag:s7] =	ssyncadd.s32 $0xFFFFFFD0;
	s16 =	sadd.s32 $0x0, s14  }
0x23: {  	v0 =	vld.msk [tilespmem:s16+$0x0 ss:$0x1], $0xffff;
	_ =	sdelay $0x4  }
0x24: {  	v1 =	vand.u32 $0x7, v0  }
0x25: {  	v2 =	vshll.u32 v0, $0xA;
	v1 =	vmul.u32 $0x600000, v1  }
0x26: {  	s15 =	smul.u32 $0x30000, s15;
	v2 =	vand.u32 $0x7FE000, v2  }
0x27: {  	s13 =	sshll.u32 s13, $0x4;
	v1 =	vadd.s32 v2, v1  }
0x28: {  	s31 =	sshrl.u32 s15, $0x2;
	s15 =	sand.u32 $0xFFFFFF80, s13;
	vm1 =	veq.s32 v0, $0x80000000;
	v1 =	vshrl.u32 v1, $0x3  }
0x29: {  	v0 =	vmov s15;
	v1 =	vsel vm1, $0x1FF3FC00, v1  }
0x2a: {  	v1 =	vadd.s32 v0, v1;
	_ =	sdelay $0x2  }
0x2b: {  	s13 =	sor.u32 $0x60, s31  }
0x2c: {  	s16 =	simm.s32 $0x40;
	s17 =	sadd.s32 $0x4000, s13;
	s18 =	smov.u32 s13  }
.LBB2_3:
0x2d: {  	[tilespmem:s18], [sflag:$0x1] =	stream.indirect_vreg.gather [hbm:s2], $0x400, v1, vm0, $0x38;
	[tilespmem:$0x18060] =	vst v63  }
0x2e: {  	s18 =	sshra.s32 s16, $0x2;
	p1 =	sne.s32 s16, $0x80;
	s16 =	sadd.s32 $0x40, s16  }
0x2f: {  	s19 =	sadd.s32 s18, s14;
	s18 =	smov.u32 s17  }
0x30: {  	v1 =	vld.msk [tilespmem:s19+$0x0 ss:$0x1], $0xffff;
	_ =	sdelay $0x5  }
0x31: {  	v2 =	vand.u32 $0x7, v1;
	v3 =	vshll.u32 v1, $0xA  }
0x32: {  	v2 =	vmul.u32 $0x600000, v2  }
0x33: {  	v3 =	vand.u32 $0x7FE000, v3  }
0x34: {  	v2 =	vadd.s32 v3, v2  }
0x35: {  	vm1 =	veq.s32 v1, $0x80000000;
	v1 =	vshrl.u32 v2, $0x3  }
0x36: {  	v1 =	vsel vm1, $0x1FF3FC00, v1  }
.Ltmp3:
0x37: {  	v1 =	vadd.s32 v0, v1;
	(pc) =	sbr.rel @p1 .LBB2_3-.Ltmp3, $2  }
0x38: {  	_ =	sdelay $0x2  }
0x39: {  	s17 =	sadd.s32 $0x4000, s17  }
0x3a: {  	_ =	sdelay $0x3  }
0x3b: {  	[tilespmem:s18], [sflag:$0x1] =	stream.indirect_vreg.gather [hbm:s2], $0x400, v1, vm0, $0x38;
	[tilespmem:$0x18060] =	vst v63  }
0x3c: {  	s12 =	sshll.u32 s12, $0xA  }
0x3d: {  	_ =	swait.ge [sflag:s4], $0xC000;
	s12 =	sadd.s32 s12, s6  }
0x3e: {  	s14 =	simm.s32 $0x400;
	[sflag:s4] =	ssyncset.done $0x0;
	s12 =	sadd.s32 s15, s12  }
0x3f: {  	s15 =	sadd.s32 $0x400, s13;
	[sflag:s4] =	ssyncadd.s32 $0xFFFF4000;
	s16 =	sadd.s32 $0x0, s12  }
.LBB2_5:
0x40: {  	[hbm:s16] =	stream.linear.scatter [tilespmem:s13], [sflag:$0x3], $0x400, $0x38;
	[tilespmem:$0x18060] =	vst v63  }
0x41: {  	s16 =	smov.u32 s14;
	s13 =	smov.u32 s15;
	p1 =	sne.s32 s14, $0xBC00  }
.Ltmp4:
0x42: {  	s14 =	sadd.s32 $0x400, s14;
	(pc) =	sbr.rel @p1 .LBB2_5-.Ltmp4, $2  }
0x43: {  	_ =	sdelay $0x2  }
0x44: {  	s15 =	sadd.s32 $0x400, s15;
	s16 =	sadd.s32 s16, s12  }
.Ltmp5:
0x45: {  	_ = 	snop;
	(pc) =	sbr.rel .LBB2_6-.Ltmp5, $1  }
0x46: {  	_ =	sdelay $0x3  }
.LBB2_8:
0x47: {  	_ =	sfence.sel $0x180000  }
0x48: {  	s2 =	simm.s32 $0x2;
	[bflag:$0x0] =	sbarrier.arrive $0xFFFF  }
0x49: {  	s30 =	simm.s32 $0x3;
	[sflag:s2] =	ssyncpa.u1 $0x1  }
0x4a: {  	s31 =	simm.s32 $0x1;
	[sflag:s30] =	ssyncpa.u1 $0x1  }
0x4b: {  	[sflag:s31] =	ssyncpa.u1 $0x1  }
0x4c: {  	p0 =	sne.s32 s1, $0x0;
	_ =	strace $0x90000047  }
0x4d: {  	s0 =	sadd.s32 @!p0 $0x100000, s0;
	[bflag:$0x2] =	sbarrier.arrive $0xFFFF  }
0x4e: {  	[sflag:s0] =	ssyncadd.tile.s32 @!p0 $0x1;
	_ =	shalt  }
.Lfunc_end2:
_tile_overlayer_lowered:
.L_overlay_start_2:
0x4f: {  	(tag) =	ssettag $0x2  }
0x50: {  	s0 =	rddreg [dreg:$0x0];
	s2 =	stileid.u32  }
0x51: {  	s1 =	rddreg [dreg:$0x1];
	p0 =	sne.s32 s2, $0x0  }
0x52: {  	s3 =	rddreg [dreg:$0x2];
	[bflag:$0x3] =	sbarrier.arrive $0xFFFF;
	s2 =	simm.s32 @!p0 $0x1C01  }
0x53: {  	[timem:s3], [sflag:s2] =	dma.local @!p0 [hbm:s0], s1  }
0x54: {  	s0 =	simm.s32 @!p0 $0x1  }
0x55: {  	_ =	swait.ge @!p0 [sflag:s0], s1  }
0x56: {  	s1 =	ssub.s32 @!p0 $0x0, s1;
	[sflag:s0] =	ssyncset.done @!p0 $0x0  }
0x57: {  	[sflag:s0] =	ssyncadd.s32 @!p0 s1  }
0x58: {  	[bflag:$0x3] =	sbarrier.arrive $0xFFFF  }
0x59: {  	_ =	shalt  }

// kernel: sparse-core-data-format-call.cloned.1.call-start
scs
called_computation_lowered:
.L_overlay_start_0:
0x0: {  	s1 =	sld [smem:$0x3FD9]  }
0x1: {  	s2 =	sld [smem:$0x3FFE];
	_ =	sdelay $0x1  }
0x2: {  	s3 =	srdreg.scid  }
0x3: {  	s0 =	sand.u32 $0x1, s3  }
0x4: {  	s17 =	sshll.u32 s0, $0xA;
	s1 =	sadd.s32 s2, s1  }
0x5: {  	s1 =	sadd.s32 s1, s17  }
0x6: {  	[smem:$0x3FC5] =	sst s1  }
0x7: {  	_ = 	snop  }
0x8: {  	(tm) =	ssettm $0x1  }
0x9: {  	s18 =	sld [smem:$0x3FFB];
	_ =	sdelay $0x3  }
0xa: {  	_ =	strace s18  }
0xb: {  	s1 =	sld [smem:$0x3FFC];
	_ =	sdelay $0x3  }
0xc: {  	_ =	strace s1  }
0xd: {  	s1 =	sld [smem:$0x3FFD];
	_ =	sdelay $0x3  }
0xe: {  	_ =	strace s1  }
0xf: {  	_ =	strace $0x8FFFFFFF  }
0x10: {  	s19 =	sld [smem:$0x3FDB];
	_ =	sdelay $0x1  }
0x11: {  	s20 =	simm.s32 $_scs_section_size  }
0x12: {  	s4 =	simm.s32 $_size__tile_overlayer_lowered;
	s5 =	simm.s32 $_tile_overlayer_lowered  }
0x13: {  	s23 =	simm.s32 $0x1BFF;
	s22 =	sshll.u32 s5, $0x1;
	s1 =	sadd.s32 s20, s19  }
0x14: {  	s6 =	simm.s32 $0x0;
	s21 =	sshll.u32 s4, $0x1;
	s4 =	sadd.s32 s22, s1  }
0x15: {  	[timem:s6], [sflag:s23] =	dma.local [hbm:s4], s21  }
0x16: {  	_ =	swait.ge [sflag:s23], s21  }
0x17: {  	s2 =	ssub.s32 $0x0, s21;
	[sflag:s23] =	ssyncset.done $0x0  }
0x18: {  	[sflag:s23] =	ssyncadd.s32 s2;
	_ =	sdelay $0x1  }
0x19: {  	s24 =	simm.s32 $0x1B8B  }
0x1a: {  	_ =	swait.ge [sflag:s24], $0x1  }
0x1b: {  	[sflag:s24] =	ssyncset.done $0x0  }
0x1c: {  	s26 =	simm.s32 $0x1B8E;
	s25 =	sld [smem:$0x3FFE];
	[sflag:s24] =	ssyncadd.s32 $0xFFFFFFFF  }
0x1d: {  	s27 =	simm.s32 $execute0_lowered;
	[smem:$0x3FD2] =	sst s26  }
0x1e: {  	s4 =	sshll.u32 s27, $0x1;
	_ =	strace $0x80000049;
	[dreg:$0x1] =	wrdreg $0xFFFFFFFF  }
0x1f: {  	s28 =	simm.s32 $_size_execute0_lowered;
	s1 =	sadd.s32 s1, s4;
	[dreg:$0x0] =	wrdreg $0x0  }
0x20: {  	s4 =	sshll.u32 s28, $0x1;
	[dreg:$0x2] =	wrdreg s1  }
0x21: {  	[dreg:$0x3] =	wrdreg s4  }
0x22: {  	[dreg:$0x4] =	wrdreg $0xC0  }
0x23: {  	_ =	task [dreg:s6], $0x5FFFF  }
0x24: {  	[dreg:$0x1] =	wrdreg $0xFFFFFFFF  }
0x25: {  	[dreg:$0x0] =	wrdreg $0x60  }
0x26: {  	[dreg:$0x2] =	wrdreg s25  }
0x27: {  	[dreg:$0x3] =	wrdreg $0x9  }
0x28: {  	_ =	task.clear_ibuf [dreg:s6], $0x4FFFF;
	_ =	strace $0x90000049  }
0x29: {  	s29 =	simm.s32 $0x9;
	_ =	strace $0x8000004B  }
0x2a: {  	_ =	swait.ge [sflag:s29], $0x1  }
0x2b: {  	[sflag:s29] =	ssyncadd.s32 $0xFFFFFFFF  }
0x2c: {  	_ =	strace $0x9000004B  }
0x2d: {  	_ =	sfence  }
0x2e: {  	s30 =	sld [smem:$0x0];
	_ =	sdelay $0x2  }
0x2f: {  	s31 =	sshll.u32 s3, $0xD;
	s3 =	sshrl.u32 s3, $0x2  }
0x30: {  	s2 =	sand.u32 $0x4000, s31;
	s1 =	sadd.s32 s3, s30  }
0x31: {  	s0 =	sor.u32 s2, s0;
	s1 =	sshll.u32 s1, $0x11  }
0x32: {  	s0 =	sor.u32 s1, s0  }
0x33: {  	s0 =	sadd.s32 $0x8F2B, s0  }
0x34: {  	[sflag:s0] =	ssyncadd.remote.s32 $0x1  }
0x35: {  	_ =	sfence.sel $0xFFFF  }
0x36: {  	[dreg:$0x0] =	wrdreg $0xFFFFFFFF;
	(pc) =	sbr.abs _section_cstart, $3  }
0x37: {  	[dreg:$0x1] =	wrdreg $0xFFFFFFFF  }
0x38: {  	_ =	task.clear_ibuf [dreg:s6], $0x2FFFF;
	_ =	strace $0x9FFFFFFF  }
0x39: {  	(tm) =	ssettm $0x7FFFFFFF  }
tec
execute0_lowered:
.L_overlay_start_1:
0x0: {  	(tag) =	ssettag $0x1  }
0x1: {  	s8 =	rddreg [dreg:$0x0]  }
0x2: {  	s0 =	stileid.u32;
	s1 =	rddreg [dreg:$0x1];
	_ =	strace $0x8000004A  }
0x3: {  	s5 =	srdreg.scid;
	s10 =	simm.s32 $0x2;
	s15 =	simm.s32 $0x0  }
0x4: {  	s16 =	simm.s32 $0x0;
	s17 =	simm.s32 $0x0;
	s2 =	sshll.u32 s0, $0x1  }
0x5: {  	s12 =	simm.s32 $0x0;
	s5 =	sshll.u32 s5, $0x4;
	s2 =	sand.u32 $0x6, s2  }
0x6: {  	s14 =	simm.s32 $0x0;
	s5 =	sand.u32 $0x10, s5;
	s4 =	ssub.s32 $0x8, s2  }
0x7: {  	s3 =	sadd.s32 $0xD80800, s8;
	s9 =	sor.u32 s0, s5;
	s6 =	sand.u32 $0x6, s4  }
0x8: {  	s7 =	sshrl.u32 s4, $0x3;
	p0 =	sne.s32 s6, $0x0;
	s6 =	simm.s32 $0x1  }
.Ltmp0:
0x9: {  	s4 =	simm.s32 $0x1;
	s6 =	simm.s32 @!p0 $0x0;
	(pc) =	sbr.rel .LBB1_1-.Ltmp0, $4  }
0xa: {  	s13 =	smov.u32 s2;
	[sflag:s4] =	ssyncpa.u1 $0x0;
	s31 =	sadd.s32 s6, s7  }
0xb: {  	[sflag:s10] =	ssyncpa.u1 $0x0;
	p0 =	por $0x0, $0x0;
	s5 =	smul.u32 $0x30, s31  }
0xc: {  	s10 =	simm.s32 $0x1800;
	s6 =	sadd.s32 $0x180C00, s8;
	s7 =	sshrl.u32 s9, $0x2  }
0xd: {  	s8 =	sadd.s32 $0xE40800, s8;
	s11 =	smov.u32 s7;
	s9 =	sor.u32 $0x1, s5  }
.LBB1_7:
0xe: {  	s18 =	sadd.s32 $0x8, s11  }
0xf: {  	s15 =	sadd.s32 $0x80, s12;
	s19 =	smov.u32 s12;
	p2 =	sgt.s32 s18, $0x3F  }
0x10: {  	s19 =	smov.u32 @p2 s15  }
0x11: {  	s21 =	smov.u32 s13;
	s15 =	sadd.s32 $0x8, s13;
	p3 =	sgt.s32 s19, $0x2FF  }
0x12: {  	s21 =	smov.u32 @p3 s15  }
0x13: {  	s18 =	smov.u32 @p2 s7;
	p2 =	sgt.s32 s21, $0x7  }
0x14: {  	p1 =	slt.u32 s14, $0x2;
	s21 =	smov.u32 @p2 s2;
	p2 =	sne.s32 s14, s9  }
.Ltmp1:
0x15: {  	s20 =	simm.s32 @!p1 $0x2;
	(pc) =	sbr.rel @!p2 .LBB1_8-.Ltmp1, $4  }
0x16: {  	s16 =	smov.u32 s12;
	s17 =	smov.u32 s13;
	_ =	swait.ge @!p1 [sflag:s20], $0x4000  }
0x17: {  	p0 =	por !p0, !p0;
	[sflag:s20] =	ssyncset.done @!p1 $0x0;
	s19 =	simm.s32 @p3 $0x0  }
0x18: {  	s15 =	smov.u32 s11;
	[sflag:s20] =	ssyncadd.s32 @!p1 $0xFFFFC000;
	s11 =	smov.u32 s18  }
0x19: {  	s12 =	smov.u32 s19;
	s14 =	sadd.s32 $0x1, s14;
	s13 =	smov.u32 s21  }
.LBB1_1:
0x1a: {  	p1 =	sge.u32 s14, s5  }
0x1b: {  	s18 =	smul.u32 @!p1 $0xC0000, s13;
	s19 =	sxor.u32 @!p1 $0xFFFFFFFF, s14  }
0x1c: {  	s20 =	sshll.u32 @!p1 s12, $0xA;
	s22 =	sshll.u32 @!p1 s11, $0x4;
	s23 =	simm.s32 @!p1 $0x40  }
0x1d: {  	s24 =	simm.s32 @!p1 $0x2000;
	s19 =	sshll.u32 @!p1 s19, $0xE;
	s21 =	sadd.s32 @!p1 s18, s20  }
0x1e: {  	s22 =	sand.u32 @!p1 $0x3F0, s22;
	s18 =	sadd.s32 @!p1 s18, s8;
	s21 =	sadd.s32 @!p1 s3, s21  }
0x1f: {  	s19 =	sand.u32 @!p1 $0x4000, s19;
	s18 =	sadd.s32 @!p1 s20, s18;
	s21 =	sadd.s32 @!p1 s22, s21  }
0x20: {  	[tilespmem:s19], [sflag:$0x1] =	stream.strided.gather @!p1 [hbm4b:s21+s23], $0x2000, s24, s23, $0x38;
	[tilespmem:$0x10100] =	vst v63  }
0x21: {  	s31 =	sadd.s32 $0xFFFFFFFF, s14;
	s18 =	sadd.s32 @!p1 s22, s18;
	s19 =	sor.u32 @!p1 $0x2000, s19  }
0x22: {  	[tilespmem:s19], [sflag:$0x1] =	stream.strided.gather @!p1 [hbm4b:s18+s23], $0x2000, s24, s23, $0x38;
	[tilespmem:$0x10100] =	vst v63  }
0x23: {  	p1 =	sge.u32 s31, s5  }
.Ltmp2:
0x24: {  	_ = 	snop;
	(pc) =	sbr.rel @p1 .LBB1_7-.Ltmp2, $1  }
0x25: {  	_ =	sdelay $0x3  }
0x26: {  	s18 =	simm.s32 $0x1;
	s20 =	sand.u32 $0x1, s14  }
0x27: {  	_ =	swait.ge [sflag:s4], $0x4000;
	s18 =	simm.s32 @!p0 $0x0;
	s20 =	smul.u32 $0x10200, s20  }
0x28: {  	p2 =	por $0x1, $0x1;
	[sflag:s4] =	ssyncset.done $0x0;
	s19 =	smul.u32 $0x10200, s18  }
0x29: {  	s21 =	sshll.u32 s18, $0x10;
	[sflag:s4] =	ssyncadd.s32 $0xFFFFC000;
	s30 =	sshrl.u32 s20, $0x2  }
0x2a: {  	s31 =	sshrl.u32 s21, $0x2;
	s21 =	simm.s32 $0x0;
	s19 =	sshrl.u32 s19, $0x2  }
0x2b: {  	s18 =	sor.u32 $0x8000, s30;
	s20 =	sadd.s32 $0x20, s31;
	s19 =	sor.u32 $0x8000, s19  }
.LBB1_3:
0x2c: {  	s22 =	sshll.u32 s21, $0xD  }
0x2d: {  	s22 =	sand.u32 $0x3FFFE000, s22  }
0x2e: {  	s24 =	sadd.s32 s22, s20  }
0x2f: {  	s31 =	smul.u32 $0x204, s21;
	v3 =	vld [tilespmem:s24+$0x10]  }
0x30: {  	v1 =	vld [tilespmem:s24+$0xFFFFFFF0]  }
0x31: {  	s21 =	sshra.s32 s31, $0x2;
	v0 =	vld [tilespmem:s24+$0x0]  }
0x32: {  	s21 =	sadd.s32 s21, s19;
	v2 =	vld [tilespmem:s24+$0xFFFFFFE0]  }
0x33: {  	s22 =	sadd.s32 $0x0, s21  }
0x34: {  	p1 =	por p2, p2;
	s23 =	simm.s32 $0x4;
	s24 =	sadd.s32 $0x40, s24;
	[tilespmem:s22+$0x3060 ss:$0x102] =	vst.msk $0xffff, v3  }
.LBB1_4:
0x35: {  	v3 =	vld [tilespmem:s24+$0x10];
	p2 =	sne.s32 s23, $0x1FC;
	[tilespmem:s22+$0x1020 ss:$0x102] =	vst.msk $0xffff, v1;
	s25 =	smov.u32 s23;
	s23 =	sadd.s32 $0x4, s23  }
.Ltmp3:
0x36: {  	v1 =	vld [tilespmem:s24+$0xFFFFFFF0];
	[tilespmem:s22+$0x2040 ss:$0x102] =	vst.msk $0xffff, v0;
	(pc) =	sbr.rel @p2 .LBB1_4-.Ltmp3, $4  }
0x37: {  	v0 =	vld [tilespmem:s24+$0x0];
	[tilespmem:s22+$0x0 ss:$0x102] =	vst.msk $0xffff, v2  }
0x38: {  	s22 =	sshra.s32 s25, $0x2;
	v2 =	vld [tilespmem:s24+$0xFFFFFFE0]  }
0x39: {  	s22 =	sadd.s32 s22, s21  }
0x3a: {  	s24 =	sadd.s32 $0x40, s24;
	[tilespmem:s22+$0x3060 ss:$0x102] =	vst.msk $0xffff, v3  }
.Ltmp4:
0x3b: {  	(pc) =	sbr.rel @p1 .LBB1_3-.Ltmp4, $4  }
0x3c: {  	_ = 	snop  }
0x3d: {  	[tilespmem:s22+$0x1020 ss:$0x102] =	vst.msk $0xffff, v1  }
0x3e: {  	[tilespmem:s22+$0x2040 ss:$0x102] =	vst.msk $0xffff, v0  }
0x3f: {  	s21 =	simm.s32 $0x1;
	p2 =	por $0x0, $0x0;
	[tilespmem:s22+$0x0 ss:$0x102] =	vst.msk $0xffff, v2  }
0x40: {  	s19 =	sshrl.u32 s17, $0x3  }
0x41: {  	s20 =	sshll.u32 s16, $0x3;
	s19 =	smul.u32 $0x1800, s19  }
0x42: {  	s27 =	sshll.u32 s17, $0x7;
	s20 =	sand.u32 $0xFFFFFC00, s20  }
0x43: {  	s17 =	sand.u32 $0x380, s27;
	s19 =	sadd.s32 s19, s20  }
0x44: {  	s28 =	sand.u32 $0x7F, s16;
	s17 =	sor.u32 s17, s19  }
0x45: {  	s16 =	sor.u32 s28, s17;
	s17 =	smulhi.u32 $0xAAAAAAAB, s17  }
0x46: {  	s29 =	smulhi.u32 $0xAAAAAAAB, s16;
	_ =	sdelay $0x1  }
0x47: {  	s15 =	smul.u32 $0xC000, s15;
	s17 =	sshrl.u32 s17, $0x9;
	s19 =	sshrl.u32 s29, $0x9  }
0x48: {  	s17 =	sand.u32 $0x7, s17;
	s19 =	smul.u32 $0x300, s19  }
0x49: {  	s17 =	smul.u32 $0x60, s17  }
.Ltmp5:
0x4a: {  	s16 =	ssub.s32 s16, s19;
	(pc) =	sbr.rel .LBB1_7-.Ltmp5, $4  }
0x4b: {  	s15 =	sadd.s32 s6, s15;
	s19 =	sand.u32 $0x7, s16  }
0x4c: {  	s15 =	sadd.s32 s17, s15;
	s16 =	sshrl.u32 s16, $0x3;
	s30 =	sshll.u32 s19, $0x12  }
0x4d: {  	s15 =	sadd.s32 s16, s15;
	s31 =	sor.u32 $0x100, s30  }
0x4e: {  	[hbm4b:s15+s31] =	stream.strided.scatter [tilespmem:s18], [sflag:$0x2], $0x4000, s10, s31, $0x20;
	[tilespmem:$0x10100] =	vst v63  }
.LBB1_8:
0x4f: {  	_ =	sfence.sel $0x180000  }
0x50: {  	s2 =	simm.s32 $0x1;
	[bflag:$0x0] =	sbarrier.arrive $0xFFFF  }
0x51: {  	s31 =	simm.s32 $0x2;
	[sflag:s2] =	ssyncpa.u1 $0x1  }
0x52: {  	[sflag:s31] =	ssyncpa.u1 $0x1  }
0x53: {  	p0 =	sne.s32 s0, $0x0;
	_ =	strace $0x9000004A  }
0x54: {  	s0 =	sadd.s32 @!p0 $0x100000, s1;
	[bflag:$0x2] =	sbarrier.arrive $0xFFFF  }
0x55: {  	[sflag:s0] =	ssyncadd.tile.s32 @!p0 $0x1;
	_ =	shalt  }
.Lfunc_end1:
_tile_overlayer_lowered:
.L_overlay_start_2:
0x56: {  	(tag) =	ssettag $0x2  }
0x57: {  	s0 =	rddreg [dreg:$0x0];
	s2 =	stileid.u32  }
0x58: {  	s1 =	rddreg [dreg:$0x1];
	p0 =	sne.s32 s2, $0x0  }
0x59: {  	s3 =	rddreg [dreg:$0x2];
	[bflag:$0x3] =	sbarrier.arrive $0xFFFF;
	s2 =	simm.s32 @!p0 $0x1C01  }
0x5a: {  	[timem:s3], [sflag:s2] =	dma.local @!p0 [hbm:s0], s1  }
0x5b: {  	s0 =	simm.s32 @!p0 $0x1  }
0x5c: {  	_ =	swait.ge @!p0 [sflag:s0], s1  }
0x5d: {  	s1 =	ssub.s32 @!p0 $0x0, s1;
	[sflag:s0] =	ssyncset.done @!p0 $0x0  }
0x5e: {  	[sflag:s0] =	ssyncadd.s32 @!p0 s1  }
0x5f: {  	[bflag:$0x3] =	sbarrier.arrive $0xFFFF  }
0x60: {  	_ =	shalt  }

</sc_bundles>
